<compile_context>
chip_gen: v7x
topology: tpu7x:2x2x1
jax: 0.10.2.dev20260603
libtpu: 0.0.44.dev20260713+nightly
codegen_flags: <defaults>
</compile_context>

<pallas_src>
import functools

import jax
import jax.numpy as jnp
from jax import lax
from jax.experimental import pallas as pl
from jax.experimental.pallas import tpu as pltpu
from jax.experimental.pallas import tpu_sc as plsc

N_ATOMS_ = 3276800
_TABLE_N = 119
TABLE_PAD = 128

_info = plsc.get_sparse_core_info()
_NC, _NS, _L = _info.num_cores, _info.num_subcores, _info.num_lanes
_NW = _NC * _NS
_PER_W = N_ATOMS_ // _NW
_CHUNK = 20480
_N_CHUNKS = _PER_W // _CHUNK
_NBUF = 3


def _gather_kernel(table_hbm, an_hbm, out_hbm, table_v, *bufs_and_sems):
    idx_v = bufs_and_sems[:_NBUF]
    out_v = bufs_and_sems[_NBUF : 2 * _NBUF]
    in_sems = bufs_and_sems[2 * _NBUF : 3 * _NBUF]
    out_sems = bufs_and_sems[3 * _NBUF :]
    wid = lax.axis_index("s") * _NC + lax.axis_index("c")
    base_w = wid * _PER_W

    def in_copy(c, b):
        return pltpu.make_async_copy(
            an_hbm.at[pl.ds(base_w + c * _CHUNK, _CHUNK)], idx_v[b], in_sems[b]
        )

    def out_copy(c, b):
        return pltpu.make_async_copy(
            out_v[b], out_hbm.at[pl.ds(base_w + c * _CHUNK, _CHUNK)], out_sems[b]
        )

    for c in range(_NBUF):
        in_copy(c, c).start()
    pltpu.sync_copy(table_hbm, table_v.at[pl.ds(0, _TABLE_N)])

    for c in range(_N_CHUNKS):
        b = c % _NBUF
        in_copy(c, b).wait()
        if c >= _NBUF:
            out_copy(c - _NBUF, b).wait()

        @plsc.parallel_loop(0, _CHUNK, _L, unroll=8)
        def _(o):
            idx = idx_v[b][pl.ds(o, _L)]
            out_v[b][pl.ds(o, _L)] = plsc.load_gather(table_v, [idx])
        out_copy(c, b).start()
        if c + _NBUF < _N_CHUNKS:
            in_copy(c + _NBUF, b).start()

    for c in range(_N_CHUNKS - _NBUF, _N_CHUNKS):
        out_copy(c, c % _NBUF).wait()


@jax.jit
def _run(table_pad, atomic_numbers):
    k = functools.partial(
        pl.kernel,
        mesh=plsc.VectorSubcoreMesh(core_axis_name="c", subcore_axis_name="s"),
        out_type=jax.ShapeDtypeStruct((N_ATOMS_,), jnp.float32),
        scratch_types=[pltpu.VMEM((TABLE_PAD,), jnp.float32)]
        + [pltpu.VMEM((_CHUNK,), jnp.int32)] * _NBUF
        + [pltpu.VMEM((_CHUNK,), jnp.float32)] * _NBUF
        + [pltpu.SemaphoreType.DMA] * (2 * _NBUF),
        compiler_params=pltpu.CompilerParams(needs_layout_passes=False),
    )(_gather_kernel)
    return k(table_pad, atomic_numbers)


def kernel(atomic_numbers, atomic_subsystem_indices, ase_table):
    del atomic_subsystem_indices
    return _run(ase_table.astype(jnp.float32), atomic_numbers.astype(jnp.int32))

# --- scband reference (transcript-rebuilt; emitter-appended) ---
"""Pipeline reference for scband-calculate-atomic-self-energy-24361054503277 (READ-ONLY COPY).

The authoritative reference and input builder live on the scoring server;
editing this copy changes nothing except your own understanding.
"""

import jax, jax.numpy as jnp
import numpy as np

N_ATOMS = 3276800
MAX_Z = 119  # atomic numbers 0..118
N_MOLECULES = 16384


def setup_inputs(seed: int = 0) -> dict:
    key = jax.random.key(seed)
    k1, k2, k3 = jax.random.split(key, 3)
    atomic_numbers = jax.random.randint(k1, (N_ATOMS,), 0, MAX_Z, dtype=jnp.int64) if jax.config.jax_enable_x64 else jax.random.randint(k1, (N_ATOMS,), 0, MAX_Z, dtype=jnp.int32)
    atomic_subsystem_indices = jnp.sort(jax.random.randint(k2, (N_ATOMS,), 0, N_MOLECULES, dtype=jnp.int32))
    # ASE table (the learned/constant per-element self-energy lookup table),
    # equivalent to AtomicSelfEnergies.ase_tensor_for_indexing of shape [max_z].
    ase_table = jax.random.normal(k3, (MAX_Z,), dtype=jnp.float32) * 1000.0
    return {
        "atomic_numbers": atomic_numbers,
        "atomic_subsystem_indices": atomic_subsystem_indices,
        "ase_table": ase_table,
    }


def reference(atomic_numbers, atomic_subsystem_indices, ase_table):
    # Faithful translation of CalculateAtomicSelfEnergy.forward:
    #   atomic_subsystem_indices cast to long (no-op for the math; kept for fidelity)
    #   ase_tensor = ase_tensor_for_indexing[atomic_numbers]
    atomic_subsystem_indices = atomic_subsystem_indices.astype(jnp.int32)
    ase_tensor = jnp.take(ase_table, atomic_numbers, axis=0)
    return ase_tensor

if __name__ == "__main__":
    import jax
    _d = setup_inputs()
    print(jax.jit(kernel)(*tuple(_d.values())))

</pallas_src>

<mosaic_0001>
#map = affine_map<(d0, d1) -> (0)>
module attributes {stable_mosaic.version = 14 : i64} {
  func.func @_gather_kernel(%arg0: i32, %arg1: i32, %arg2: memref<119xf32, #tpu.memory_space<hbm>>, %arg3: memref<3276800xi32, #tpu.memory_space<hbm>>, %arg4: memref<3276800xf32, #tpu.memory_space<hbm>>, %arg5: memref<128xf32, #tpu.memory_space<vmem>>, %arg6: memref<20480xi32, #tpu.memory_space<vmem>>, %arg7: memref<20480xi32, #tpu.memory_space<vmem>>, %arg8: memref<20480xi32, #tpu.memory_space<vmem>>, %arg9: memref<20480xf32, #tpu.memory_space<vmem>>, %arg10: memref<20480xf32, #tpu.memory_space<vmem>>, %arg11: memref<20480xf32, #tpu.memory_space<vmem>>, %arg12: memref<!tpu.dma_semaphore, #tpu.memory_space<semaphore_mem>>, %arg13: memref<!tpu.dma_semaphore, #tpu.memory_space<semaphore_mem>>, %arg14: memref<!tpu.dma_semaphore, #tpu.memory_space<semaphore_mem>>, %arg15: memref<!tpu.dma_semaphore, #tpu.memory_space<semaphore_mem>>, %arg16: memref<!tpu.dma_semaphore, #tpu.memory_space<semaphore_mem>>, %arg17: memref<!tpu.dma_semaphore, #tpu.memory_space<semaphore_mem>>) attributes {dimension_semantics = [#tpu.dimension_semantics<core_parallel>, #tpu.dimension_semantics<subcore_parallel>], iteration_bounds = array<i64: 2, 16>, scalar_prefetch = 0 : i64, scratch_operands = 13 : i64, tpu.core_type = #tpu.core_type<sc_vector_subcore>, window_params = [{transform_indices = #map}, {transform_indices = #map}, {transform_indices = #map}]} {
    %mul3A = arith.constant 2 : i32
    %mul3A_0 = arith.muli %arg1, %mul3A : i32
    %add3A = arith.addi %mul3A_0, %arg0 : i32
    %mul3A_1 = arith.constant 102400 : i32
    %mul3A_2 = arith.muli %add3A, %mul3A_1 : i32
    %add3A_3 = arith.constant 0 : i32
    %add3A_4 = arith.addi %mul3A_2, %add3A_3 : i32
    %dma_start3A = tpu.memref_slice %arg3[%add3A_4] : memref<3276800xi32, #tpu.memory_space<hbm>> -> memref<20480xi32, #tpu.memory_space<hbm>>
    %dma_start3A_5 = tpu.memref_slice %arg3[%add3A_4] : memref<3276800xi32, #tpu.memory_space<hbm>> -> memref<20480xi32, #tpu.memory_space<hbm>>
    tpu.enqueue_dma source(%dma_start3A_5 : memref<20480xi32, #tpu.memory_space<hbm>>) target(%arg6 : memref<20480xi32, #tpu.memory_space<vmem>>) target_semaphore(%arg12 : memref<!tpu.dma_semaphore, #tpu.memory_space<semaphore_mem>>)
    %add3A_6 = arith.constant 20480 : i32
    %add3A_7 = arith.addi %mul3A_2, %add3A_6 : i32
    %dma_start3A_8 = tpu.memref_slice %arg3[%add3A_7] : memref<3276800xi32, #tpu.memory_space<hbm>> -> memref<20480xi32, #tpu.memory_space<hbm>>
    %dma_start3A_9 = tpu.memref_slice %arg3[%add3A_7] : memref<3276800xi32, #tpu.memory_space<hbm>> -> memref<20480xi32, #tpu.memory_space<hbm>>
    tpu.enqueue_dma source(%dma_start3A_9 : memref<20480xi32, #tpu.memory_space<hbm>>) target(%arg7 : memref<20480xi32, #tpu.memory_space<vmem>>) target_semaphore(%arg13 : memref<!tpu.dma_semaphore, #tpu.memory_space<semaphore_mem>>)
    %add3A_10 = arith.constant 40960 : i32
    %add3A_11 = arith.addi %mul3A_2, %add3A_10 : i32
    %dma_start3A_12 = tpu.memref_slice %arg3[%add3A_11] : memref<3276800xi32, #tpu.memory_space<hbm>> -> memref<20480xi32, #tpu.memory_space<hbm>>
    %dma_start3A_13 = tpu.memref_slice %arg3[%add3A_11] : memref<3276800xi32, #tpu.memory_space<hbm>> -> memref<20480xi32, #tpu.memory_space<hbm>>
    tpu.enqueue_dma source(%dma_start3A_13 : memref<20480xi32, #tpu.memory_space<hbm>>) target(%arg8 : memref<20480xi32, #tpu.memory_space<vmem>>) target_semaphore(%arg14 : memref<!tpu.dma_semaphore, #tpu.memory_space<semaphore_mem>>)
    "tpu.region"() ({
      %run_scoped3A = tpu.sem_alloc : memref<!tpu.dma_semaphore, #tpu.memory_space<semaphore_mem>>
      %dma_start3A_95 = arith.constant 0 : i32
      %dma_start3A_96 = tpu.memref_slice %arg5[%dma_start3A_95] : memref<128xf32, #tpu.memory_space<vmem>> -> memref<119xf32, #tpu.memory_space<vmem>>
      %dma_start3A_97 = arith.constant 0 : i32
      %dma_start3A_98 = tpu.memref_slice %arg5[%dma_start3A_97] : memref<128xf32, #tpu.memory_space<vmem>> -> memref<119xf32, #tpu.memory_space<vmem>>
      tpu.enqueue_dma source(%arg2 : memref<119xf32, #tpu.memory_space<hbm>>) target(%dma_start3A_98 : memref<119xf32, #tpu.memory_space<vmem>>) target_semaphore(%run_scoped3A : memref<!tpu.dma_semaphore, #tpu.memory_space<semaphore_mem>>)
      %dma_wait3A_99 = arith.constant 0 : i32
      %dma_wait3A_100 = tpu.memref_slice %arg5[%dma_wait3A_99] : memref<128xf32, #tpu.memory_space<vmem>> -> memref<119xf32, #tpu.memory_space<vmem>>
      %dma_wait3A_101 = arith.constant 0 : i32
      %dma_wait3A_102 = tpu.memref_slice %arg5[%dma_wait3A_101] : memref<128xf32, #tpu.memory_space<vmem>> -> memref<119xf32, #tpu.memory_space<vmem>>
      tpu.wait_dma2 semaphore(%run_scoped3A : memref<!tpu.dma_semaphore, #tpu.memory_space<semaphore_mem>>) src(%arg2 : memref<119xf32, #tpu.memory_space<hbm>>) dst(%dma_wait3A_102 : memref<119xf32, #tpu.memory_space<vmem>>)
      tpu.yield
    }) : () -> ()
    %add3A_14 = arith.constant 0 : i32
    %add3A_15 = arith.addi %mul3A_2, %add3A_14 : i32
    %dma_wait3A = tpu.memref_slice %arg3[%add3A_15] : memref<3276800xi32, #tpu.memory_space<hbm>> -> memref<20480xi32, #tpu.memory_space<hbm>>
    %dma_wait3A_16 = tpu.memref_slice %arg3[%add3A_15] : memref<3276800xi32, #tpu.memory_space<hbm>> -> memref<20480xi32, #tpu.memory_space<hbm>>
    tpu.wait_dma2 semaphore(%arg12 : memref<!tpu.dma_semaphore, #tpu.memory_space<semaphore_mem>>) src(%dma_wait3A_16 : memref<20480xi32, #tpu.memory_space<hbm>>) dst(%arg6 : memref<20480xi32, #tpu.memory_space<vmem>>)
    %parallel_loop3A = arith.constant 0 : i32
    %parallel_loop3A_17 = arith.constant 20480 : i32
    %parallel_loop3A_18 = arith.constant 16 : i32
    scf.for %parallel_loop3A_95 = %parallel_loop3A to %parallel_loop3A_17 step %parallel_loop3A_18  : i32 {
      %parallel_loop3A_96 = arith.index_cast %parallel_loop3A_95 : i32 to index
      %parallel_loop3A_97 = tpu.vector_load %arg6[%parallel_loop3A_96] {strides = array<i32>} : memref<20480xi32, #tpu.memory_space<vmem>>, vector<16xi32>,
      %parallel_loop3A_98 = tpu.vector_load_idx %arg5[%parallel_loop3A_97] : memref<128xf32, #tpu.memory_space<vmem>>[vector<16xi32>], vector<16xf32>,
      %parallel_loop3A_99 = arith.index_cast %parallel_loop3A_95 : i32 to index
      %parallel_loop3A_100 = tpu.vector_load %arg9[%parallel_loop3A_99] {strides = array<i32>} : memref<20480xf32, #tpu.memory_space<vmem>>, vector<16xf32>,
      tpu.vector_store %arg9[%parallel_loop3A_99], %parallel_loop3A_98 {strides = array<i32>} : memref<20480xf32, #tpu.memory_space<vmem>>, vector<16xf32>,
    } {sc.loop_unroll_factor = 8 : i64, sc.parallel_access}
    %add3A_19 = arith.constant 0 : i32
    %add3A_20 = arith.addi %mul3A_2, %add3A_19 : i32
    %dma_start3A_21 = tpu.memref_slice %arg4[%add3A_20] : memref<3276800xf32, #tpu.memory_space<hbm>> -> memref<20480xf32, #tpu.memory_space<hbm>>
    %dma_start3A_22 = tpu.memref_slice %arg4[%add3A_20] : memref<3276800xf32, #tpu.memory_space<hbm>> -> memref<20480xf32, #tpu.memory_space<hbm>>
    tpu.enqueue_dma source(%arg9 : memref<20480xf32, #tpu.memory_space<vmem>>) target(%dma_start3A_22 : memref<20480xf32, #tpu.memory_space<hbm>>) target_semaphore(%arg15 : memref<!tpu.dma_semaphore, #tpu.memory_space<semaphore_mem>>)
    %add3A_23 = arith.constant 61440 : i32
    %add3A_24 = arith.addi %mul3A_2, %add3A_23 : i32
    %dma_start3A_25 = tpu.memref_slice %arg3[%add3A_24] : memref<3276800xi32, #tpu.memory_space<hbm>> -> memref<20480xi32, #tpu.memory_space<hbm>>
    %dma_start3A_26 = tpu.memref_slice %arg3[%add3A_24] : memref<3276800xi32, #tpu.memory_space<hbm>> -> memref<20480xi32, #tpu.memory_space<hbm>>
    tpu.enqueue_dma source(%dma_start3A_26 : memref<20480xi32, #tpu.memory_space<hbm>>) target(%arg6 : memref<20480xi32, #tpu.memory_space<vmem>>) target_semaphore(%arg12 : memref<!tpu.dma_semaphore, #tpu.memory_space<semaphore_mem>>)
    %add3A_27 = arith.constant 20480 : i32
    %add3A_28 = arith.addi %mul3A_2, %add3A_27 : i32
    %dma_wait3A_29 = tpu.memref_slice %arg3[%add3A_28] : memref<3276800xi32, #tpu.memory_space<hbm>> -> memref<20480xi32, #tpu.memory_space<hbm>>
    %dma_wait3A_30 = tpu.memref_slice %arg3[%add3A_28] : memref<3276800xi32, #tpu.memory_space<hbm>> -> memref<20480xi32, #tpu.memory_space<hbm>>
    tpu.wait_dma2 semaphore(%arg13 : memref<!tpu.dma_semaphore, #tpu.memory_space<semaphore_mem>>) src(%dma_wait3A_30 : memref<20480xi32, #tpu.memory_space<hbm>>) dst(%arg7 : memref<20480xi32, #tpu.memory_space<vmem>>)
    %parallel_loop3A_31 = arith.constant 0 : i32
    %parallel_loop3A_32 = arith.constant 20480 : i32
    %parallel_loop3A_33 = arith.constant 16 : i32
    scf.for %parallel_loop3A_95 = %parallel_loop3A_31 to %parallel_loop3A_32 step %parallel_loop3A_33  : i32 {
      %parallel_loop3A_96 = arith.index_cast %parallel_loop3A_95 : i32 to index
      %parallel_loop3A_97 = tpu.vector_load %arg7[%parallel_loop3A_96] {strides = array<i32>} : memref<20480xi32, #tpu.memory_space<vmem>>, vector<16xi32>,
      %parallel_loop3A_98 = tpu.vector_load_idx %arg5[%parallel_loop3A_97] : memref<128xf32, #tpu.memory_space<vmem>>[vector<16xi32>], vector<16xf32>,
      %parallel_loop3A_99 = arith.index_cast %parallel_loop3A_95 : i32 to index
      %parallel_loop3A_100 = tpu.vector_load %arg10[%parallel_loop3A_99] {strides = array<i32>} : memref<20480xf32, #tpu.memory_space<vmem>>, vector<16xf32>,
      tpu.vector_store %arg10[%parallel_loop3A_99], %parallel_loop3A_98 {strides = array<i32>} : memref<20480xf32, #tpu.memory_space<vmem>>, vector<16xf32>,
    } {sc.loop_unroll_factor = 8 : i64, sc.parallel_access}
    %add3A_34 = arith.constant 20480 : i32
    %add3A_35 = arith.addi %mul3A_2, %add3A_34 : i32
    %dma_start3A_36 = tpu.memref_slice %arg4[%add3A_35] : memref<3276800xf32, #tpu.memory_space<hbm>> -> memref<20480xf32, #tpu.memory_space<hbm>>
    %dma_start3A_37 = tpu.memref_slice %arg4[%add3A_35] : memref<3276800xf32, #tpu.memory_space<hbm>> -> memref<20480xf32, #tpu.memory_space<hbm>>
    tpu.enqueue_dma source(%arg10 : memref<20480xf32, #tpu.memory_space<vmem>>) target(%dma_start3A_37 : memref<20480xf32, #tpu.memory_space<hbm>>) target_semaphore(%arg16 : memref<!tpu.dma_semaphore, #tpu.memory_space<semaphore_mem>>)
    %add3A_38 = arith.constant 81920 : i32
    %add3A_39 = arith.addi %mul3A_2, %add3A_38 : i32
    %dma_start3A_40 = tpu.memref_slice %arg3[%add3A_39] : memref<3276800xi32, #tpu.memory_space<hbm>> -> memref<20480xi32, #tpu.memory_space<hbm>>
    %dma_start3A_41 = tpu.memref_slice %arg3[%add3A_39] : memref<3276800xi32, #tpu.memory_space<hbm>> -> memref<20480xi32, #tpu.memory_space<hbm>>
    tpu.enqueue_dma source(%dma_start3A_41 : memref<20480xi32, #tpu.memory_space<hbm>>) target(%arg7 : memref<20480xi32, #tpu.memory_space<vmem>>) target_semaphore(%arg13 : memref<!tpu.dma_semaphore, #tpu.memory_space<semaphore_mem>>)
    %add3A_42 = arith.constant 40960 : i32
    %add3A_43 = arith.addi %mul3A_2, %add3A_42 : i32
    %dma_wait3A_44 = tpu.memref_slice %arg3[%add3A_43] : memref<3276800xi32, #tpu.memory_space<hbm>> -> memref<20480xi32, #tpu.memory_space<hbm>>
    %dma_wait3A_45 = tpu.memref_slice %arg3[%add3A_43] : memref<3276800xi32, #tpu.memory_space<hbm>> -> memref<20480xi32, #tpu.memory_space<hbm>>
    tpu.wait_dma2 semaphore(%arg14 : memref<!tpu.dma_semaphore, #tpu.memory_space<semaphore_mem>>) src(%dma_wait3A_45 : memref<20480xi32, #tpu.memory_space<hbm>>) dst(%arg8 : memref<20480xi32, #tpu.memory_space<vmem>>)
    %parallel_loop3A_46 = arith.constant 0 : i32
    %parallel_loop3A_47 = arith.constant 20480 : i32
    %parallel_loop3A_48 = arith.constant 16 : i32
    scf.for %parallel_loop3A_95 = %parallel_loop3A_46 to %parallel_loop3A_47 step %parallel_loop3A_48  : i32 {
      %parallel_loop3A_96 = arith.index_cast %parallel_loop3A_95 : i32 to index
      %parallel_loop3A_97 = tpu.vector_load %arg8[%parallel_loop3A_96] {strides = array<i32>} : memref<20480xi32, #tpu.memory_space<vmem>>, vector<16xi32>,
      %parallel_loop3A_98 = tpu.vector_load_idx %arg5[%parallel_loop3A_97] : memref<128xf32, #tpu.memory_space<vmem>>[vector<16xi32>], vector<16xf32>,
      %parallel_loop3A_99 = arith.index_cast %parallel_loop3A_95 : i32 to index
      %parallel_loop3A_100 = tpu.vector_load %arg11[%parallel_loop3A_99] {strides = array<i32>} : memref<20480xf32, #tpu.memory_space<vmem>>, vector<16xf32>,
      tpu.vector_store %arg11[%parallel_loop3A_99], %parallel_loop3A_98 {strides = array<i32>} : memref<20480xf32, #tpu.memory_space<vmem>>, vector<16xf32>,
    } {sc.loop_unroll_factor = 8 : i64, sc.parallel_access}
    %add3A_49 = arith.constant 40960 : i32
    %add3A_50 = arith.addi %mul3A_2, %add3A_49 : i32
    %dma_start3A_51 = tpu.memref_slice %arg4[%add3A_50] : memref<3276800xf32, #tpu.memory_space<hbm>> -> memref<20480xf32, #tpu.memory_space<hbm>>
    %dma_start3A_52 = tpu.memref_slice %arg4[%add3A_50] : memref<3276800xf32, #tpu.memory_space<hbm>> -> memref<20480xf32, #tpu.memory_space<hbm>>
    tpu.enqueue_dma source(%arg11 : memref<20480xf32, #tpu.memory_space<vmem>>) target(%dma_start3A_52 : memref<20480xf32, #tpu.memory_space<hbm>>) target_semaphore(%arg17 : memref<!tpu.dma_semaphore, #tpu.memory_space<semaphore_mem>>)
    %add3A_53 = arith.constant 61440 : i32
    %add3A_54 = arith.addi %mul3A_2, %add3A_53 : i32
    %dma_wait3A_55 = tpu.memref_slice %arg3[%add3A_54] : memref<3276800xi32, #tpu.memory_space<hbm>> -> memref<20480xi32, #tpu.memory_space<hbm>>
    %dma_wait3A_56 = tpu.memref_slice %arg3[%add3A_54] : memref<3276800xi32, #tpu.memory_space<hbm>> -> memref<20480xi32, #tpu.memory_space<hbm>>
    tpu.wait_dma2 semaphore(%arg12 : memref<!tpu.dma_semaphore, #tpu.memory_space<semaphore_mem>>) src(%dma_wait3A_56 : memref<20480xi32, #tpu.memory_space<hbm>>) dst(%arg6 : memref<20480xi32, #tpu.memory_space<vmem>>)
    %add3A_57 = arith.constant 0 : i32
    %add3A_58 = arith.addi %mul3A_2, %add3A_57 : i32
    %dma_wait3A_59 = tpu.memref_slice %arg4[%add3A_58] : memref<3276800xf32, #tpu.memory_space<hbm>> -> memref<20480xf32, #tpu.memory_space<hbm>>
    %dma_wait3A_60 = tpu.memref_slice %arg4[%add3A_58] : memref<3276800xf32, #tpu.memory_space<hbm>> -> memref<20480xf32, #tpu.memory_space<hbm>>
    tpu.wait_dma2 semaphore(%arg15 : memref<!tpu.dma_semaphore, #tpu.memory_space<semaphore_mem>>) src(%arg9 : memref<20480xf32, #tpu.memory_space<vmem>>) dst(%dma_wait3A_60 : memref<20480xf32, #tpu.memory_space<hbm>>)
    %parallel_loop3A_61 = arith.constant 0 : i32
    %parallel_loop3A_62 = arith.constant 20480 : i32
    %parallel_loop3A_63 = arith.constant 16 : i32
    scf.for %parallel_loop3A_95 = %parallel_loop3A_61 to %parallel_loop3A_62 step %parallel_loop3A_63  : i32 {
      %parallel_loop3A_96 = arith.index_cast %parallel_loop3A_95 : i32 to index
      %parallel_loop3A_97 = tpu.vector_load %arg6[%parallel_loop3A_96] {strides = array<i32>} : memref<20480xi32, #tpu.memory_space<vmem>>, vector<16xi32>,
      %parallel_loop3A_98 = tpu.vector_load_idx %arg5[%parallel_loop3A_97] : memref<128xf32, #tpu.memory_space<vmem>>[vector<16xi32>], vector<16xf32>,
      %parallel_loop3A_99 = arith.index_cast %parallel_loop3A_95 : i32 to index
      %parallel_loop3A_100 = tpu.vector_load %arg9[%parallel_loop3A_99] {strides = array<i32>} : memref<20480xf32, #tpu.memory_space<vmem>>, vector<16xf32>,
      tpu.vector_store %arg9[%parallel_loop3A_99], %parallel_loop3A_98 {strides = array<i32>} : memref<20480xf32, #tpu.memory_space<vmem>>, vector<16xf32>,
    } {sc.loop_unroll_factor = 8 : i64, sc.parallel_access}
    %add3A_64 = arith.constant 61440 : i32
    %add3A_65 = arith.addi %mul3A_2, %add3A_64 : i32
    %dma_start3A_66 = tpu.memref_slice %arg4[%add3A_65] : memref<3276800xf32, #tpu.memory_space<hbm>> -> memref<20480xf32, #tpu.memory_space<hbm>>
    %dma_start3A_67 = tpu.memref_slice %arg4[%add3A_65] : memref<3276800xf32, #tpu.memory_space<hbm>> -> memref<20480xf32, #tpu.memory_space<hbm>>
    tpu.enqueue_dma source(%arg9 : memref<20480xf32, #tpu.memory_space<vmem>>) target(%dma_start3A_67 : memref<20480xf32, #tpu.memory_space<hbm>>) target_semaphore(%arg15 : memref<!tpu.dma_semaphore, #tpu.memory_space<semaphore_mem>>)
    %add3A_68 = arith.constant 81920 : i32
    %add3A_69 = arith.addi %mul3A_2, %add3A_68 : i32
    %dma_wait3A_70 = tpu.memref_slice %arg3[%add3A_69] : memref<3276800xi32, #tpu.memory_space<hbm>> -> memref<20480xi32, #tpu.memory_space<hbm>>
    %dma_wait3A_71 = tpu.memref_slice %arg3[%add3A_69] : memref<3276800xi32, #tpu.memory_space<hbm>> -> memref<20480xi32, #tpu.memory_space<hbm>>
    tpu.wait_dma2 semaphore(%arg13 : memref<!tpu.dma_semaphore, #tpu.memory_space<semaphore_mem>>) src(%dma_wait3A_71 : memref<20480xi32, #tpu.memory_space<hbm>>) dst(%arg7 : memref<20480xi32, #tpu.memory_space<vmem>>)
    %add3A_72 = arith.constant 20480 : i32
    %add3A_73 = arith.addi %mul3A_2, %add3A_72 : i32
    %dma_wait3A_74 = tpu.memref_slice %arg4[%add3A_73] : memref<3276800xf32, #tpu.memory_space<hbm>> -> memref<20480xf32, #tpu.memory_space<hbm>>
    %dma_wait3A_75 = tpu.memref_slice %arg4[%add3A_73] : memref<3276800xf32, #tpu.memory_space<hbm>> -> memref<20480xf32, #tpu.memory_space<hbm>>
    tpu.wait_dma2 semaphore(%arg16 : memref<!tpu.dma_semaphore, #tpu.memory_space<semaphore_mem>>) src(%arg10 : memref<20480xf32, #tpu.memory_space<vmem>>) dst(%dma_wait3A_75 : memref<20480xf32, #tpu.memory_space<hbm>>)
    %parallel_loop3A_76 = arith.constant 0 : i32
    %parallel_loop3A_77 = arith.constant 20480 : i32
    %parallel_loop3A_78 = arith.constant 16 : i32
    scf.for %parallel_loop3A_95 = %parallel_loop3A_76 to %parallel_loop3A_77 step %parallel_loop3A_78  : i32 {
      %parallel_loop3A_96 = arith.index_cast %parallel_loop3A_95 : i32 to index
      %parallel_loop3A_97 = tpu.vector_load %arg7[%parallel_loop3A_96] {strides = array<i32>} : memref<20480xi32, #tpu.memory_space<vmem>>, vector<16xi32>,
      %parallel_loop3A_98 = tpu.vector_load_idx %arg5[%parallel_loop3A_97] : memref<128xf32, #tpu.memory_space<vmem>>[vector<16xi32>], vector<16xf32>,
      %parallel_loop3A_99 = arith.index_cast %parallel_loop3A_95 : i32 to index
      %parallel_loop3A_100 = tpu.vector_load %arg10[%parallel_loop3A_99] {strides = array<i32>} : memref<20480xf32, #tpu.memory_space<vmem>>, vector<16xf32>,
      tpu.vector_store %arg10[%parallel_loop3A_99], %parallel_loop3A_98 {strides = array<i32>} : memref<20480xf32, #tpu.memory_space<vmem>>, vector<16xf32>,
    } {sc.loop_unroll_factor = 8 : i64, sc.parallel_access}
    %add3A_79 = arith.constant 81920 : i32
    %add3A_80 = arith.addi %mul3A_2, %add3A_79 : i32
    %dma_start3A_81 = tpu.memref_slice %arg4[%add3A_80] : memref<3276800xf32, #tpu.memory_space<hbm>> -> memref<20480xf32, #tpu.memory_space<hbm>>
    %dma_start3A_82 = tpu.memref_slice %arg4[%add3A_80] : memref<3276800xf32, #tpu.memory_space<hbm>> -> memref<20480xf32, #tpu.memory_space<hbm>>
    tpu.enqueue_dma source(%arg10 : memref<20480xf32, #tpu.memory_space<vmem>>) target(%dma_start3A_82 : memref<20480xf32, #tpu.memory_space<hbm>>) target_semaphore(%arg16 : memref<!tpu.dma_semaphore, #tpu.memory_space<semaphore_mem>>)
    %add3A_83 = arith.constant 40960 : i32
    %add3A_84 = arith.addi %mul3A_2, %add3A_83 : i32
    %dma_wait3A_85 = tpu.memref_slice %arg4[%add3A_84] : memref<3276800xf32, #tpu.memory_space<hbm>> -> memref<20480xf32, #tpu.memory_space<hbm>>
    %dma_wait3A_86 = tpu.memref_slice %arg4[%add3A_84] : memref<3276800xf32, #tpu.memory_space<hbm>> -> memref<20480xf32, #tpu.memory_space<hbm>>
    tpu.wait_dma2 semaphore(%arg17 : memref<!tpu.dma_semaphore, #tpu.memory_space<semaphore_mem>>) src(%arg11 : memref<20480xf32, #tpu.memory_space<vmem>>) dst(%dma_wait3A_86 : memref<20480xf32, #tpu.memory_space<hbm>>)
    %add3A_87 = arith.constant 61440 : i32
    %add3A_88 = arith.addi %mul3A_2, %add3A_87 : i32
    %dma_wait3A_89 = tpu.memref_slice %arg4[%add3A_88] : memref<3276800xf32, #tpu.memory_space<hbm>> -> memref<20480xf32, #tpu.memory_space<hbm>>
    %dma_wait3A_90 = tpu.memref_slice %arg4[%add3A_88] : memref<3276800xf32, #tpu.memory_space<hbm>> -> memref<20480xf32, #tpu.memory_space<hbm>>
    tpu.wait_dma2 semaphore(%arg15 : memref<!tpu.dma_semaphore, #tpu.memory_space<semaphore_mem>>) src(%arg9 : memref<20480xf32, #tpu.memory_space<vmem>>) dst(%dma_wait3A_90 : memref<20480xf32, #tpu.memory_space<hbm>>)
    %add3A_91 = arith.constant 81920 : i32
    %add3A_92 = arith.addi %mul3A_2, %add3A_91 : i32
    %dma_wait3A_93 = tpu.memref_slice %arg4[%add3A_92] : memref<3276800xf32, #tpu.memory_space<hbm>> -> memref<20480xf32, #tpu.memory_space<hbm>>
    %dma_wait3A_94 = tpu.memref_slice %arg4[%add3A_92] : memref<3276800xf32, #tpu.memory_space<hbm>> -> memref<20480xf32, #tpu.memory_space<hbm>>
    tpu.wait_dma2 semaphore(%arg16 : memref<!tpu.dma_semaphore, #tpu.memory_space<semaphore_mem>>) src(%arg10 : memref<20480xf32, #tpu.memory_space<vmem>>) dst(%dma_wait3A_94 : memref<20480xf32, #tpu.memory_space<hbm>>)
    return
  }
}

</mosaic_0001>

<sc_bundles>
// kernel: _run.3.cloned.1.call-start
scs
__scs_entry_jumppad:
0x0: {  	(pc) =	sbr.rel $0x88, $3  }
0x1: {  	(tag) =	ssettag $0x0;
	lr =	simm.s32 $0x1  }
0x2: {  	[smem:$0x3F9F] =	sst lr;
	_ =	strace $0xD0000000  }
0x3: {  	_ = 	snop  }
0x4: {  	_ = 	snop  }
0x5: {  	_ = 	snop  }
0x6: {  	_ = 	snop  }
0x7: {  	_ = 	snop  }
__scs_overlays_trampoline_lowered:
0x8: {  	[smem:$0x3FAE] =	sst s0  }
0x9: {  	[smem:$0x3FAF] =	sst s1  }
0xa: {  	[smem:$0x3FB0] =	sst s2  }
0xb: {  	[smem:$0x3FB1] =	sst s3  }
0xc: {  	[smem:$0x3FB2] =	sst s4  }
0xd: {  	[smem:$0x3FB3] =	sst s5  }
0xe: {  	[smem:$0x3FB4] =	sst s6  }
0xf: {  	[smem:$0x3FB5] =	sst s7  }
0x10: {  	[smem:$0x3FB6] =	sst s8  }
0x11: {  	[smem:$0x3FB7] =	sst s9;
	s0 =	simm.s32 @!p0 $0x0  }
0x12: {  	s1 =	sld [smem:$0x3F9D];
	s0 =	simm.s32 @p0 $0x1  }
0x13: {  	[smem:$0x3FB8] =	sst s0;
	s0 =	simm.s32 @!p1 $0x0  }
0x14: {  	s2 =	sld [smem:$0x3F9C];
	s0 =	simm.s32 @p1 $0x1  }
0x15: {  	[smem:$0x3FB9] =	sst s0;
	s0 =	simm.s32 @!p2 $0x0  }
0x16: {  	s3 =	sld [smem:$0x3FDB];
	s0 =	simm.s32 @p2 $0x1  }
0x17: {  	s4 =	simm.s32 $0x1BF5;
	[smem:$0x3FBB] =	sst s0  }
0x18: {  	s0 =	sld [smem:$0x3F9E];
	_ =	swait.ge [sflag:s4], $0x0  }
0x19: {  	s7 =	sld [smem:$0x3F9F]  }
0x1a: {  	s8 =	sadd.s32 $0xFFFFE003, lr  }
0x1b: {  	s9 =	sadd.s32 $0xFFFFFEF7, lr;
	s5 =	simm.s32 $0xFFFFFFFF;
	p2 =	slt.u32 s8, $0xFFFFF086  }
0x1c: {  	p1 =	slt.u32 s9, $0xF7A;
	s5 =	simm.s32 @!p2 $0x0  }
0x1d: {  	s5 =	simm.s32 @p1 $0x1;
	p0 =	seq.s32 s7, s2  }
0x1e: {  	s7 =	smul.u32 @!p0 $0xF7A, s2;
	p2 =	seq.s32 @!p0 s5, $0x0  }
0x1f: {  	s9 =	smul.u32 $0xF7A, s1;
	s8 =	simm.s32 @!p0 $0x1BF5;
	p2 =	por !p2, p0  }
0x20: {  	[sflag:s8] =	ssyncset.s32 @!p0 $0xFFFFF086;
	s6 =	sadd.s32 @!p0 s3, s7;
	s7 =	simm.s32 @!p0 $0x108  }
0x21: {  	s3 =	sadd.s32 s3, s9;
	s6 =	sadd.s32 @!p0 $0x88, s6;
	s7 =	simm.s32 @p2 $0x1082  }
0x22: {  	[simem:s7], [sflag:s8] =	dma.local @!p0 [hbm:s6], $0xF7A  }
0x23: {  	s9 =	sor.u32 $0xD0000000, s2;
	s6 =	simm.s32 $0x108;
	_ =	swait.ge @!p0 [sflag:s8], $0x0  }
0x24: {  	s3 =	sadd.s32 $0x88, s3;
	s6 =	simm.s32 @!p1 $0x1082;
	[sflag:s4] =	ssyncset.s32 $0xFFFFF086  }
0x25: {  	[simem:s6], [sflag:s4] =	dma.local [hbm:s3], $0xF7A  }
0x26: {  	[smem:$0x3F9F] =	sst s1;
	(tag) =	ssettag s2;
	_ =	strace s9  }
0x27: {  	s1 =	sld [smem:$0x3FAF]  }
0x28: {  	s2 =	sld [smem:$0x3FB0]  }
0x29: {  	s4 =	sld [smem:$0x3FB2]  }
0x2a: {  	p0 =	seq.s32 s5, $0x0;
	s5 =	sld [smem:$0x3FB3]  }
0x2b: {  	s6 =	sld [smem:$0x3FB4]  }
0x2c: {  	s7 =	sld [smem:$0x3FB5]  }
0x2d: {  	s3 =	simm.s32 $0x108;
	s8 =	sld [smem:$0x3FB6]  }
0x2e: {  	s3 =	simm.s32 @!p0 $0x1082;
	s9 =	sld [smem:$0x3FB7]  }
0x2f: {  	lr =	sadd.s32 s0, s3;
	s0 =	sld [smem:$0x3FAE]  }
0x30: {  	s3 =	sld [smem:$0x3FB1]  }
0x31: {  	[smem:$0x3FBA] =	sst s10  }
0x32: {  	s10 =	sld [smem:$0x3FB8];
	_ =	sdelay $0x3  }
0x33: {  	p0 =	seq.s32 s10, $0x1;
	s10 =	sld [smem:$0x3FBA];
	_ =	sdelay $0x3  }
0x34: {  	[smem:$0x3FBA] =	sst s10  }
0x35: {  	s10 =	sld [smem:$0x3FB9];
	_ =	sdelay $0x3  }
0x36: {  	p1 =	seq.s32 s10, $0x1;
	s10 =	sld [smem:$0x3FBA];
	_ =	sdelay $0x3  }
0x37: {  	[smem:$0x3FBA] =	sst s10  }
0x38: {  	s10 =	sld [smem:$0x3FBB]  }
0x39: {  	_ = 	snop;
	(pc) =	sbr.ind lr, $3  }
0x3a: {  	_ = 	snop  }
0x3b: {  	_ = 	snop  }
0x3c: {  	p2 =	seq.s32 s10, $0x1;
	s10 =	sld [smem:$0x3FBA]  }
0x3d: {  	_ =	shalt  }
0x3e: {  	_ =	shalt  }
0x3f: {  	_ =	shalt  }
0x40: {  	_ =	shalt  }
0x41: {  	_ =	shalt  }
0x42: {  	_ =	shalt  }
0x43: {  	_ =	shalt  }
0x44: {  	_ =	shalt  }
0x45: {  	_ =	shalt  }
0x46: {  	_ =	shalt  }
0x47: {  	_ =	shalt  }
0x48: {  	_ =	shalt  }
0x49: {  	_ =	shalt  }
0x4a: {  	_ =	shalt  }
0x4b: {  	_ =	shalt  }
0x4c: {  	_ =	shalt  }
0x4d: {  	_ =	shalt  }
0x4e: {  	_ =	shalt  }
0x4f: {  	_ =	shalt  }
0x50: {  	_ =	shalt  }
0x51: {  	_ =	shalt  }
0x52: {  	_ =	shalt  }
0x53: {  	_ =	shalt  }
0x54: {  	_ =	shalt  }
0x55: {  	_ =	shalt  }
0x56: {  	_ =	shalt  }
0x57: {  	_ =	shalt  }
0x58: {  	_ =	shalt  }
0x59: {  	_ =	shalt  }
0x5a: {  	_ =	shalt  }
0x5b: {  	_ =	shalt  }
0x5c: {  	_ =	shalt  }
0x5d: {  	_ =	shalt  }
0x5e: {  	_ =	shalt  }
0x5f: {  	_ =	shalt  }
0x60: {  	_ =	shalt  }
0x61: {  	_ =	shalt  }
0x62: {  	_ =	shalt  }
0x63: {  	_ =	shalt  }
0x64: {  	_ =	shalt  }
0x65: {  	_ =	shalt  }
0x66: {  	_ =	shalt  }
0x67: {  	_ =	shalt  }
0x68: {  	_ =	shalt  }
0x69: {  	_ =	shalt  }
0x6a: {  	_ =	shalt  }
0x6b: {  	_ =	shalt  }
0x6c: {  	_ =	shalt  }
0x6d: {  	_ =	shalt  }
0x6e: {  	_ =	shalt  }
0x6f: {  	_ =	shalt  }
0x70: {  	_ =	shalt  }
0x71: {  	_ =	shalt  }
0x72: {  	_ =	shalt  }
0x73: {  	_ =	shalt  }
0x74: {  	_ =	shalt  }
0x75: {  	_ =	shalt  }
0x76: {  	_ =	shalt  }
0x77: {  	_ =	shalt  }
0x78: {  	_ =	shalt  }
0x79: {  	_ =	shalt  }
0x7a: {  	_ =	shalt  }
0x7b: {  	_ =	shalt  }
0x7c: {  	_ =	shalt  }
0x7d: {  	_ =	shalt  }
0x7e: {  	_ =	shalt  }
0x7f: {  	_ =	shalt  }
0x80: {  	_ =	shalt  }
0x81: {  	_ =	shalt  }
0x82: {  	_ =	shalt  }
0x83: {  	_ =	shalt  }
0x84: {  	_ =	shalt  }
0x85: {  	_ =	shalt  }
0x86: {  	_ =	shalt  }
0x87: {  	_ =	shalt  }
.Lfunc_end0:
.L_simem_size_0:
called_computation_lowered:
.L_overlay_start_0:
0x88: {  	s2 =	sld [smem:$0x3FD9]  }
0x89: {  	s3 =	sld [smem:$0x3FFE];
	_ =	sdelay $0x1  }
0x8a: {  	s1 =	srdreg.scid  }
0x8b: {  	s0 =	sand.u32 $0x1, s1  }
0x8c: {  	s18 =	sshll.u32 s0, $0xA;
	s2 =	sadd.s32 s3, s2  }
0x8d: {  	s2 =	sadd.s32 s2, s18  }
0x8e: {  	[smem:$0x3FC6] =	sst s2  }
0x8f: {  	_ = 	snop  }
0x90: {  	s2 =	sld [smem:$0x3FC9]  }
0x91: {  	s19 =	sld [smem:$0x3FC8]  }
0x92: {  	s4 =	sld [smem:$0x3FD0];
	(tm) =	ssettm $0x1  }
0x93: {  	s5 =	sld [smem:$0x3FFB];
	_ =	sdelay $0x3  }
0x94: {  	_ =	strace s5  }
0x95: {  	s5 =	sld [smem:$0x3FFC];
	_ =	sdelay $0x3  }
0x96: {  	_ =	strace s5  }
0x97: {  	s5 =	sld [smem:$0x3FFD];
	_ =	sdelay $0x3  }
0x98: {  	_ =	strace s5  }
0x99: {  	_ =	strace $0x8FFFFFFF  }
0x9a: {  	s20 =	sld [smem:$0x3FDB];
	_ =	sdelay $0x1  }
0x9b: {  	s6 =	simm.s32 $_scs_section_size  }
0x9c: {  	s7 =	simm.s32 $_size__tile_overlayer_lowered;
	s8 =	simm.s32 $_tile_overlayer_lowered  }
0x9d: {  	s23 =	simm.s32 $0x1BFF;
	s22 =	sshll.u32 s8, $0x1;
	s5 =	sadd.s32 s6, s20  }
0x9e: {  	s9 =	simm.s32 $0x0;
	s21 =	sshll.u32 s7, $0x1;
	s7 =	sadd.s32 s22, s5  }
0x9f: {  	[timem:s9], [sflag:s23] =	dma.local [hbm:s7], s21  }
0xa0: {  	_ =	swait.ge [sflag:s23], s21  }
0xa1: {  	s6 =	ssub.s32 $0x0, s21;
	[sflag:s23] =	ssyncset.done $0x0  }
0xa2: {  	[sflag:s23] =	ssyncadd.s32 s6;
	_ =	sdelay $0x1  }
0xa3: {  	s24 =	simm.s32 $0x1B8B  }
0xa4: {  	_ =	swait.ge [sflag:s24], $0x1  }
0xa5: {  	[sflag:s24] =	ssyncset.done $0x0  }
0xa6: {  	s25 =	simm.s32 $0x1B8E;
	[sflag:s24] =	ssyncadd.s32 $0xFFFFFFFF  }
0xa7: {  	s26 =	simm.s32 $execute0_lowered;
	[smem:$0x3FD2] =	sst s25  }
0xa8: {  	s6 =	sshll.u32 s26, $0x1;
	_ =	strace $0x80000046;
	[dreg:$0x1] =	wrdreg $0xFFFFFFFF  }
0xa9: {  	s28 =	simm.s32 $_size_execute0_lowered;
	s5 =	sadd.s32 s5, s6;
	[dreg:$0x0] =	wrdreg $0x0  }
0xaa: {  	s6 =	sshll.u32 s28, $0x1;
	[dreg:$0x2] =	wrdreg s5  }
0xab: {  	[dreg:$0x3] =	wrdreg s6  }
0xac: {  	[dreg:$0x4] =	wrdreg $0xC0  }
0xad: {  	_ =	task [dreg:s9], $0x5FFFF  }
0xae: {  	[dreg:$0x1] =	wrdreg $0xFFFFFFFF  }
0xaf: {  	[dreg:$0x0] =	wrdreg $0x60  }
0xb0: {  	[dreg:$0x2] =	wrdreg s2  }
0xb1: {  	[dreg:$0x3] =	wrdreg s19  }
0xb2: {  	[dreg:$0x4] =	wrdreg s4  }
0xb3: {  	[dreg:$0x5] =	wrdreg $0x9  }
0xb4: {  	_ =	task.clear_ibuf [dreg:s9], $0x6FFFF;
	_ =	strace $0x90000046  }
0xb5: {  	s29 =	simm.s32 $0x9;
	_ =	strace $0x80000048  }
0xb6: {  	_ =	swait.ge [sflag:s29], $0x1  }
0xb7: {  	[sflag:s29] =	ssyncadd.s32 $0xFFFFFFFF  }
0xb8: {  	_ =	strace $0x90000048  }
0xb9: {  	_ =	sfence  }
0xba: {  	s30 =	sld [smem:$0x0];
	_ =	sdelay $0x2  }
0xbb: {  	s31 =	sshll.u32 s1, $0xD;
	s1 =	sshrl.u32 s1, $0x2  }
0xbc: {  	s3 =	sand.u32 $0x4000, s31;
	s1 =	sadd.s32 s1, s30  }
0xbd: {  	s0 =	sor.u32 s3, s0;
	s1 =	sshll.u32 s1, $0x11  }
0xbe: {  	s0 =	sor.u32 s1, s0  }
0xbf: {  	s0 =	sadd.s32 $0x8F2B, s0  }
0xc0: {  	[sflag:s0] =	ssyncadd.remote.s32 $0x1  }
0xc1: {  	_ =	sfence.sel $0xFFFF  }
0xc2: {  	[dreg:$0x0] =	wrdreg $0xFFFFFFFF;
	(pc) =	sbr.abs _section_cstart, $3  }
0xc3: {  	[dreg:$0x1] =	wrdreg $0xFFFFFFFF  }
0xc4: {  	_ =	task.clear_ibuf [dreg:s9], $0x2FFFF;
	_ =	strace $0x9FFFFFFF  }
0xc5: {  	(tm) =	ssettm $0x7FFFFFFF  }
tec
execute0_lowered:
.L_overlay_start_1:
0x0: {  	(tag) =	ssettag $0x1  }
0x1: {  	s1 =	rddreg [dreg:$0x0]  }
0x2: {  	s2 =	srdreg.scid;
	s10 =	rddreg [dreg:$0x1]  }
0x3: {  	s0 =	stileid.u32;
	s13 =	rddreg [dreg:$0x2];
	s15 =	simm.s32 $0x80  }
0x4: {  	s16 =	simm.s32 $0x5080;
	s17 =	simm.s32 $0xA080;
	s18 =	simm.s32 $0x7  }
0x5: {  	s19 =	simm.s32 $0x1;
	s20 =	simm.s32 $0xF080;
	s21 =	simm.s32 $0x2  }
0x6: {  	s22 =	simm.s32 $0x14080;
	s23 =	simm.s32 $0x3;
	s24 =	simm.s32 $0x19080  }
0x7: {  	s25 =	simm.s32 $0x4;
	s2 =	sand.u32 $0x1, s2;
	s3 =	sshll.u32 s0, $0x1  }
0x8: {  	s26 =	simm.s32 $0x5;
	s28 =	simm.s32 $0x6;
	s4 =	sor.u32 s2, s3  }
0x9: {  	s3 =	simm.s32 $0x0;
	s2 =	ssub.s32 $0x2, s2;
	s4 =	smul.u32 $0x19000, s4  }
0xa: {  	s29 =	simm.s32 $0x0;
	[smem:$0x7FF] =	sst s3;
	s5 =	sshrl.u32 s2, $0x1  }
0xb: {  	_ =	strace $0x80000047;
	s2 =	ssub.s32 s2, s5;
	s8 =	sshrl.u32 s4, $0x3  }
0xc: {  	s9 =	sadd.s32 $0xA00, s8;
	s11 =	sadd.s32 $0x1400, s8;
	s4 =	sadd.s32 s10, s8  }
0xd: {  	s7 =	sadd.s32 s13, s8;
	s12 =	sadd.s32 $0x1E00, s8;
	s14 =	sadd.s32 $0x2800, s8  }
0xe: {  	s5 =	sadd.s32 s10, s9;
	s6 =	sadd.s32 s10, s11;
	s8 =	sadd.s32 s10, s12  }
0xf: {  	s9 =	sadd.s32 s13, s9;
	s10 =	sadd.s32 s10, s14;
	s11 =	sadd.s32 s13, s11  }
0x10: {  	s12 =	sadd.s32 s13, s12;
	s13 =	sadd.s32 s13, s14;
	s14 =	smax.u32 s2, $0x1  }
.LBB2_1:
0x11: {  	[tilespmem:s15], [sflag:$0x1] =	stream.linear.gather [hbm4b:s4+s3], $0x5000, $0x38;
	[tilespmem:$0x1E080] =	vst v63  }
0x12: {  	_ = 	snop  }
0x13: {  	[tilespmem:s16], [sflag:$0x2] =	stream.linear.gather [hbm4b:s5+s3], $0x5000, $0x38;
	[tilespmem:$0x1E080] =	vst v63  }
0x14: {  	_ = 	snop  }
0x15: {  	[tilespmem:s17], [sflag:$0x3] =	stream.linear.gather [hbm4b:s6+s3], $0x5000, $0x38;
	[tilespmem:$0x1E080] =	vst v63  }
0x16: {  	_ = 	snop  }
0x17: {  	[tilespmem:s3], [sflag:$0x7] =	stream.linear.gather [hbm4b:s1+s3], $0x77, $0x38;
	[tilespmem:$0x1E080] =	vst v63  }
0x18: {  	_ =	swait.ge [sflag:s18], $0x77  }
0x19: {  	[sflag:s18] =	ssyncset.done $0x0  }
0x1a: {  	[sflag:s18] =	ssyncadd.s32 $0xFFFFFF89  }
0x1b: {  	_ =	swait.ge [sflag:s19], $0x5000  }
0x1c: {  	[sflag:s19] =	ssyncset.done $0x0  }
0x1d: {  	s2 =	simm.s32 $0xC0;
	[sflag:s19] =	ssyncadd.s32 $0xFFFFB000  }
0x1e: {  	v0 =	vld [tilespmem:s2+$0x30]  }
0x1f: {  	v1 =	vld [tilespmem:s2+$0xFFFFFFD0]  }
0x20: {  	v2 =	vld [tilespmem:s2+$0xFFFFFFE0]  }
0x21: {  	v3 =	vld [tilespmem:s2+$0xFFFFFFF0]  }
0x22: {  	v4 =	vld [tilespmem:s2+$0x0]  }
0x23: {  	v6 =	vld [tilespmem:s2+$0x10]  }
0x24: {  	v7 =	vld [tilespmem:s2+$0x20]  }
0x25: {  	v8 =	vld [tilespmem:s2+$0xFFFFFFC0]  }
0x26: {  	v9 =	vld.idx.msk [tilespmem:v0+s3+$0x0], $0xffff  }
0x27: {  	v10 =	vld.idx.msk [tilespmem:v1+s3+$0x0], $0xffff  }
0x28: {  	v5 =	vld.idx.msk [tilespmem:v2+s3+$0x0], $0xffff  }
0x29: {  	v3 =	vld.idx.msk [tilespmem:v3+s3+$0x0], $0xffff  }
0x2a: {  	v0 =	vld.idx.msk [tilespmem:v4+s3+$0x0], $0xffff  }
0x2b: {  	s30 =	simm.s32 $0xF0C0;
	v1 =	vld.idx.msk [tilespmem:v6+s3+$0x0], $0xffff  }
0x2c: {  	v2 =	vld.idx.msk [tilespmem:v7+s3+$0x0], $0xffff;
	[tilespmem:s30+$0x30] =	vst v9  }
0x2d: {  	s31 =	simm.s32 $0x0;
	s2 =	simm.s32 $0x140;
	v4 =	vld.idx.msk [tilespmem:v8+s3+$0x0], $0xffff;
	[tilespmem:s30+$0xFFFFFFD0] =	vst v10  }
.LBB2_2:
0x2e: {  	v6 =	vld [tilespmem:s2+$0x30];
	s31 =	sadd.s32 $0x80, s31;
	[tilespmem:s30+$0xFFFFFFE0] =	vst v5  }
0x2f: {  	v5 =	vld [tilespmem:s2+$0xFFFFFFD0];
	p0 =	slt.u32 s31, $0x4F80;
	[tilespmem:s30+$0xFFFFFFF0] =	vst v3  }
0x30: {  	v3 =	vld [tilespmem:s2+$0xFFFFFFE0];
	[tilespmem:s30+$0x0] =	vst v0  }
0x31: {  	v0 =	vld [tilespmem:s2+$0xFFFFFFF0];
	[tilespmem:s30+$0x10] =	vst v1  }
0x32: {  	v1 =	vld [tilespmem:s2+$0x0];
	[tilespmem:s30+$0x20] =	vst v2  }
0x33: {  	v2 =	vld [tilespmem:s2+$0x10];
	[tilespmem:s30+$0xFFFFFFC0] =	vst v4  }
0x34: {  	v4 =	vld [tilespmem:s2+$0x20]  }
0x35: {  	v7 =	vld [tilespmem:s2+$0xFFFFFFC0]  }
0x36: {  	v6 =	vld.idx.msk [tilespmem:v6+s3+$0x0], $0xffff  }
0x37: {  	v8 =	vld.idx.msk [tilespmem:v5+s3+$0x0], $0xffff  }
0x38: {  	v5 =	vld.idx.msk [tilespmem:v3+s3+$0x0], $0xffff  }
.Ltmp0:
0x39: {  	v3 =	vld.idx.msk [tilespmem:v0+s3+$0x0], $0xffff;
	(pc) =	sbr.rel @p0 .LBB2_2-.Ltmp0, $4  }
0x3a: {  	v0 =	vld.idx.msk [tilespmem:v1+s3+$0x0], $0xffff  }
0x3b: {  	s30 =	sadd.s32 $0x80, s30;
	v1 =	vld.idx.msk [tilespmem:v2+s3+$0x0], $0xffff  }
0x3c: {  	v2 =	vld.idx.msk [tilespmem:v4+s3+$0x0], $0xffff;
	[tilespmem:s30+$0x30] =	vst v6  }
0x3d: {  	s2 =	sadd.s32 $0x80, s2;
	v4 =	vld.idx.msk [tilespmem:v7+s3+$0x0], $0xffff;
	[tilespmem:s30+$0xFFFFFFD0] =	vst v8  }
0x3e: {  	[tilespmem:s30+$0xFFFFFFE0] =	vst v5  }
0x3f: {  	[tilespmem:s30+$0xFFFFFFF0] =	vst v3  }
0x40: {  	[tilespmem:s30+$0x0] =	vst v0  }
0x41: {  	[tilespmem:s30+$0x10] =	vst v1  }
0x42: {  	[tilespmem:s30+$0x20] =	vst v2  }
0x43: {  	[tilespmem:s30+$0xFFFFFFC0] =	vst v4  }
0x44: {  	[hbm4b:s7+s3] =	stream.linear.scatter [tilespmem:s20], [sflag:$0x4], $0x5000, $0x38;
	[tilespmem:$0x1E080] =	vst v63  }
0x45: {  	_ = 	snop  }
0x46: {  	[tilespmem:s15], [sflag:$0x1] =	stream.linear.gather [hbm4b:s8+s3], $0x5000, $0x38;
	[tilespmem:$0x1E080] =	vst v63  }
0x47: {  	_ =	swait.ge [sflag:s21], $0x5000  }
0x48: {  	[sflag:s21] =	ssyncset.done $0x0  }
0x49: {  	s2 =	simm.s32 $0x50C0;
	[sflag:s21] =	ssyncadd.s32 $0xFFFFB000  }
0x4a: {  	v0 =	vld [tilespmem:s2+$0x30]  }
0x4b: {  	v1 =	vld [tilespmem:s2+$0xFFFFFFD0]  }
0x4c: {  	v2 =	vld [tilespmem:s2+$0xFFFFFFE0]  }
0x4d: {  	v3 =	vld [tilespmem:s2+$0xFFFFFFF0]  }
0x4e: {  	v4 =	vld [tilespmem:s2+$0x0]  }
0x4f: {  	v6 =	vld [tilespmem:s2+$0x10]  }
0x50: {  	v7 =	vld [tilespmem:s2+$0x20]  }
0x51: {  	v8 =	vld [tilespmem:s2+$0xFFFFFFC0]  }
0x52: {  	v9 =	vld.idx.msk [tilespmem:v0+s3+$0x0], $0xffff  }
0x53: {  	v10 =	vld.idx.msk [tilespmem:v1+s3+$0x0], $0xffff  }
0x54: {  	v5 =	vld.idx.msk [tilespmem:v2+s3+$0x0], $0xffff  }
0x55: {  	v3 =	vld.idx.msk [tilespmem:v3+s3+$0x0], $0xffff  }
0x56: {  	v0 =	vld.idx.msk [tilespmem:v4+s3+$0x0], $0xffff  }
0x57: {  	s30 =	simm.s32 $0x140C0;
	v1 =	vld.idx.msk [tilespmem:v6+s3+$0x0], $0xffff  }
0x58: {  	v2 =	vld.idx.msk [tilespmem:v7+s3+$0x0], $0xffff;
	[tilespmem:s30+$0x30] =	vst v9  }
0x59: {  	s31 =	simm.s32 $0x0;
	s2 =	simm.s32 $0x5140;
	v4 =	vld.idx.msk [tilespmem:v8+s3+$0x0], $0xffff;
	[tilespmem:s30+$0xFFFFFFD0] =	vst v10  }
.LBB2_4:
0x5a: {  	v6 =	vld [tilespmem:s2+$0x30];
	s31 =	sadd.s32 $0x80, s31;
	[tilespmem:s30+$0xFFFFFFE0] =	vst v5  }
0x5b: {  	v5 =	vld [tilespmem:s2+$0xFFFFFFD0];
	p0 =	slt.u32 s31, $0x4F80;
	[tilespmem:s30+$0xFFFFFFF0] =	vst v3  }
0x5c: {  	v3 =	vld [tilespmem:s2+$0xFFFFFFE0];
	[tilespmem:s30+$0x0] =	vst v0  }
0x5d: {  	v0 =	vld [tilespmem:s2+$0xFFFFFFF0];
	[tilespmem:s30+$0x10] =	vst v1  }
0x5e: {  	v1 =	vld [tilespmem:s2+$0x0];
	[tilespmem:s30+$0x20] =	vst v2  }
0x5f: {  	v2 =	vld [tilespmem:s2+$0x10];
	[tilespmem:s30+$0xFFFFFFC0] =	vst v4  }
0x60: {  	v4 =	vld [tilespmem:s2+$0x20]  }
0x61: {  	v7 =	vld [tilespmem:s2+$0xFFFFFFC0]  }
0x62: {  	v6 =	vld.idx.msk [tilespmem:v6+s3+$0x0], $0xffff  }
0x63: {  	v8 =	vld.idx.msk [tilespmem:v5+s3+$0x0], $0xffff  }
0x64: {  	v5 =	vld.idx.msk [tilespmem:v3+s3+$0x0], $0xffff  }
.Ltmp1:
0x65: {  	v3 =	vld.idx.msk [tilespmem:v0+s3+$0x0], $0xffff;
	(pc) =	sbr.rel @p0 .LBB2_4-.Ltmp1, $4  }
0x66: {  	v0 =	vld.idx.msk [tilespmem:v1+s3+$0x0], $0xffff  }
0x67: {  	s30 =	sadd.s32 $0x80, s30;
	v1 =	vld.idx.msk [tilespmem:v2+s3+$0x0], $0xffff  }
0x68: {  	v2 =	vld.idx.msk [tilespmem:v4+s3+$0x0], $0xffff;
	[tilespmem:s30+$0x30] =	vst v6  }
0x69: {  	s2 =	sadd.s32 $0x80, s2;
	v4 =	vld.idx.msk [tilespmem:v7+s3+$0x0], $0xffff;
	[tilespmem:s30+$0xFFFFFFD0] =	vst v8  }
0x6a: {  	[tilespmem:s30+$0xFFFFFFE0] =	vst v5  }
0x6b: {  	[tilespmem:s30+$0xFFFFFFF0] =	vst v3  }
0x6c: {  	[tilespmem:s30+$0x0] =	vst v0  }
0x6d: {  	[tilespmem:s30+$0x10] =	vst v1  }
0x6e: {  	[tilespmem:s30+$0x20] =	vst v2  }
0x6f: {  	[tilespmem:s30+$0xFFFFFFC0] =	vst v4  }
0x70: {  	[hbm4b:s9+s3] =	stream.linear.scatter [tilespmem:s22], [sflag:$0x5], $0x5000, $0x38;
	[tilespmem:$0x1E080] =	vst v63  }
0x71: {  	_ = 	snop  }
0x72: {  	[tilespmem:s16], [sflag:$0x2] =	stream.linear.gather [hbm4b:s10+s3], $0x5000, $0x38;
	[tilespmem:$0x1E080] =	vst v63  }
0x73: {  	_ =	swait.ge [sflag:s23], $0x5000  }
0x74: {  	[sflag:s23] =	ssyncset.done $0x0  }
0x75: {  	s2 =	simm.s32 $0xA0C0;
	[sflag:s23] =	ssyncadd.s32 $0xFFFFB000  }
0x76: {  	v0 =	vld [tilespmem:s2+$0x30]  }
0x77: {  	v1 =	vld [tilespmem:s2+$0xFFFFFFD0]  }
0x78: {  	v2 =	vld [tilespmem:s2+$0xFFFFFFE0]  }
0x79: {  	v3 =	vld [tilespmem:s2+$0xFFFFFFF0]  }
0x7a: {  	v4 =	vld [tilespmem:s2+$0x0]  }
0x7b: {  	v6 =	vld [tilespmem:s2+$0x10]  }
0x7c: {  	v7 =	vld [tilespmem:s2+$0x20]  }
0x7d: {  	v8 =	vld [tilespmem:s2+$0xFFFFFFC0]  }
0x7e: {  	v9 =	vld.idx.msk [tilespmem:v0+s3+$0x0], $0xffff  }
0x7f: {  	v10 =	vld.idx.msk [tilespmem:v1+s3+$0x0], $0xffff  }
0x80: {  	v5 =	vld.idx.msk [tilespmem:v2+s3+$0x0], $0xffff  }
0x81: {  	v3 =	vld.idx.msk [tilespmem:v3+s3+$0x0], $0xffff  }
0x82: {  	v0 =	vld.idx.msk [tilespmem:v4+s3+$0x0], $0xffff  }
0x83: {  	s30 =	simm.s32 $0x190C0;
	v1 =	vld.idx.msk [tilespmem:v6+s3+$0x0], $0xffff  }
0x84: {  	v2 =	vld.idx.msk [tilespmem:v7+s3+$0x0], $0xffff;
	[tilespmem:s30+$0x30] =	vst v9  }
0x85: {  	s31 =	simm.s32 $0x0;
	s2 =	simm.s32 $0xA140;
	v4 =	vld.idx.msk [tilespmem:v8+s3+$0x0], $0xffff;
	[tilespmem:s30+$0xFFFFFFD0] =	vst v10  }
.LBB2_6:
0x86: {  	v6 =	vld [tilespmem:s2+$0x30];
	s31 =	sadd.s32 $0x80, s31;
	[tilespmem:s30+$0xFFFFFFE0] =	vst v5  }
0x87: {  	v5 =	vld [tilespmem:s2+$0xFFFFFFD0];
	p0 =	slt.u32 s31, $0x4F80;
	[tilespmem:s30+$0xFFFFFFF0] =	vst v3  }
0x88: {  	v3 =	vld [tilespmem:s2+$0xFFFFFFE0];
	[tilespmem:s30+$0x0] =	vst v0  }
0x89: {  	v0 =	vld [tilespmem:s2+$0xFFFFFFF0];
	[tilespmem:s30+$0x10] =	vst v1  }
0x8a: {  	v1 =	vld [tilespmem:s2+$0x0];
	[tilespmem:s30+$0x20] =	vst v2  }
0x8b: {  	v2 =	vld [tilespmem:s2+$0x10];
	[tilespmem:s30+$0xFFFFFFC0] =	vst v4  }
0x8c: {  	v4 =	vld [tilespmem:s2+$0x20]  }
0x8d: {  	v7 =	vld [tilespmem:s2+$0xFFFFFFC0]  }
0x8e: {  	v6 =	vld.idx.msk [tilespmem:v6+s3+$0x0], $0xffff  }
0x8f: {  	v8 =	vld.idx.msk [tilespmem:v5+s3+$0x0], $0xffff  }
0x90: {  	v5 =	vld.idx.msk [tilespmem:v3+s3+$0x0], $0xffff  }
.Ltmp2:
0x91: {  	v3 =	vld.idx.msk [tilespmem:v0+s3+$0x0], $0xffff;
	(pc) =	sbr.rel @p0 .LBB2_6-.Ltmp2, $4  }
0x92: {  	v0 =	vld.idx.msk [tilespmem:v1+s3+$0x0], $0xffff  }
0x93: {  	s30 =	sadd.s32 $0x80, s30;
	v1 =	vld.idx.msk [tilespmem:v2+s3+$0x0], $0xffff  }
0x94: {  	v2 =	vld.idx.msk [tilespmem:v4+s3+$0x0], $0xffff;
	[tilespmem:s30+$0x30] =	vst v6  }
0x95: {  	s2 =	sadd.s32 $0x80, s2;
	v4 =	vld.idx.msk [tilespmem:v7+s3+$0x0], $0xffff;
	[tilespmem:s30+$0xFFFFFFD0] =	vst v8  }
0x96: {  	[tilespmem:s30+$0xFFFFFFE0] =	vst v5  }
0x97: {  	[tilespmem:s30+$0xFFFFFFF0] =	vst v3  }
0x98: {  	[tilespmem:s30+$0x0] =	vst v0  }
0x99: {  	[tilespmem:s30+$0x10] =	vst v1  }
0x9a: {  	[tilespmem:s30+$0x20] =	vst v2  }
0x9b: {  	[tilespmem:s30+$0xFFFFFFC0] =	vst v4  }
0x9c: {  	[hbm4b:s11+s3] =	stream.linear.scatter [tilespmem:s24], [sflag:$0x6], $0x5000, $0x38;
	[tilespmem:$0x1E080] =	vst v63  }
0x9d: {  	_ =	swait.ge [sflag:s19], $0x5000  }
0x9e: {  	[sflag:s19] =	ssyncset.done $0x0  }
0x9f: {  	[sflag:s19] =	ssyncadd.s32 $0xFFFFB000  }
0xa0: {  	_ =	swait.ge [sflag:s25], $0x5000  }
0xa1: {  	[sflag:s25] =	ssyncset.done $0x0  }
0xa2: {  	s2 =	simm.s32 $0xC0;
	[sflag:s25] =	ssyncadd.s32 $0xFFFFB000  }
0xa3: {  	v0 =	vld [tilespmem:s2+$0x30]  }
0xa4: {  	v1 =	vld [tilespmem:s2+$0xFFFFFFD0]  }
0xa5: {  	v2 =	vld [tilespmem:s2+$0xFFFFFFE0]  }
0xa6: {  	v3 =	vld [tilespmem:s2+$0xFFFFFFF0]  }
0xa7: {  	v4 =	vld [tilespmem:s2+$0x0]  }
0xa8: {  	v6 =	vld [tilespmem:s2+$0x10]  }
0xa9: {  	v7 =	vld [tilespmem:s2+$0x20]  }
0xaa: {  	v8 =	vld [tilespmem:s2+$0xFFFFFFC0]  }
0xab: {  	v9 =	vld.idx.msk [tilespmem:v0+s3+$0x0], $0xffff  }
0xac: {  	v10 =	vld.idx.msk [tilespmem:v1+s3+$0x0], $0xffff  }
0xad: {  	v5 =	vld.idx.msk [tilespmem:v2+s3+$0x0], $0xffff  }
0xae: {  	v3 =	vld.idx.msk [tilespmem:v3+s3+$0x0], $0xffff  }
0xaf: {  	v0 =	vld.idx.msk [tilespmem:v4+s3+$0x0], $0xffff  }
0xb0: {  	s30 =	simm.s32 $0xF0C0;
	v1 =	vld.idx.msk [tilespmem:v6+s3+$0x0], $0xffff  }
0xb1: {  	v2 =	vld.idx.msk [tilespmem:v7+s3+$0x0], $0xffff;
	[tilespmem:s30+$0x30] =	vst v9  }
0xb2: {  	s31 =	simm.s32 $0x0;
	s2 =	simm.s32 $0x140;
	v4 =	vld.idx.msk [tilespmem:v8+s3+$0x0], $0xffff;
	[tilespmem:s30+$0xFFFFFFD0] =	vst v10  }
.LBB2_8:
0xb3: {  	v6 =	vld [tilespmem:s2+$0x30];
	s31 =	sadd.s32 $0x80, s31;
	[tilespmem:s30+$0xFFFFFFE0] =	vst v5  }
0xb4: {  	v5 =	vld [tilespmem:s2+$0xFFFFFFD0];
	p0 =	slt.u32 s31, $0x4F80;
	[tilespmem:s30+$0xFFFFFFF0] =	vst v3  }
0xb5: {  	v3 =	vld [tilespmem:s2+$0xFFFFFFE0];
	[tilespmem:s30+$0x0] =	vst v0  }
0xb6: {  	v0 =	vld [tilespmem:s2+$0xFFFFFFF0];
	[tilespmem:s30+$0x10] =	vst v1  }
0xb7: {  	v1 =	vld [tilespmem:s2+$0x0];
	[tilespmem:s30+$0x20] =	vst v2  }
0xb8: {  	v2 =	vld [tilespmem:s2+$0x10];
	[tilespmem:s30+$0xFFFFFFC0] =	vst v4  }
0xb9: {  	v4 =	vld [tilespmem:s2+$0x20]  }
0xba: {  	v7 =	vld [tilespmem:s2+$0xFFFFFFC0]  }
0xbb: {  	v6 =	vld.idx.msk [tilespmem:v6+s3+$0x0], $0xffff  }
0xbc: {  	v8 =	vld.idx.msk [tilespmem:v5+s3+$0x0], $0xffff  }
0xbd: {  	v5 =	vld.idx.msk [tilespmem:v3+s3+$0x0], $0xffff  }
.Ltmp3:
0xbe: {  	v3 =	vld.idx.msk [tilespmem:v0+s3+$0x0], $0xffff;
	(pc) =	sbr.rel @p0 .LBB2_8-.Ltmp3, $4  }
0xbf: {  	v0 =	vld.idx.msk [tilespmem:v1+s3+$0x0], $0xffff  }
0xc0: {  	s30 =	sadd.s32 $0x80, s30;
	v1 =	vld.idx.msk [tilespmem:v2+s3+$0x0], $0xffff  }
0xc1: {  	v2 =	vld.idx.msk [tilespmem:v4+s3+$0x0], $0xffff;
	[tilespmem:s30+$0x30] =	vst v6  }
0xc2: {  	s2 =	sadd.s32 $0x80, s2;
	v4 =	vld.idx.msk [tilespmem:v7+s3+$0x0], $0xffff;
	[tilespmem:s30+$0xFFFFFFD0] =	vst v8  }
0xc3: {  	[tilespmem:s30+$0xFFFFFFE0] =	vst v5  }
0xc4: {  	[tilespmem:s30+$0xFFFFFFF0] =	vst v3  }
0xc5: {  	[tilespmem:s30+$0x0] =	vst v0  }
0xc6: {  	[tilespmem:s30+$0x10] =	vst v1  }
0xc7: {  	[tilespmem:s30+$0x20] =	vst v2  }
0xc8: {  	[tilespmem:s30+$0xFFFFFFC0] =	vst v4  }
0xc9: {  	[hbm4b:s12+s3] =	stream.linear.scatter [tilespmem:s20], [sflag:$0x4], $0x5000, $0x38;
	[tilespmem:$0x1E080] =	vst v63  }
0xca: {  	_ =	swait.ge [sflag:s21], $0x5000  }
0xcb: {  	[sflag:s21] =	ssyncset.done $0x0  }
0xcc: {  	[sflag:s21] =	ssyncadd.s32 $0xFFFFB000  }
0xcd: {  	_ =	swait.ge [sflag:s26], $0x5000  }
0xce: {  	[sflag:s26] =	ssyncset.done $0x0  }
0xcf: {  	s2 =	simm.s32 $0x50C0;
	[sflag:s26] =	ssyncadd.s32 $0xFFFFB000  }
0xd0: {  	v0 =	vld [tilespmem:s2+$0x30]  }
0xd1: {  	v1 =	vld [tilespmem:s2+$0xFFFFFFD0]  }
0xd2: {  	v2 =	vld [tilespmem:s2+$0xFFFFFFE0]  }
0xd3: {  	v3 =	vld [tilespmem:s2+$0xFFFFFFF0]  }
0xd4: {  	v4 =	vld [tilespmem:s2+$0x0]  }
0xd5: {  	v6 =	vld [tilespmem:s2+$0x10]  }
0xd6: {  	v7 =	vld [tilespmem:s2+$0x20]  }
0xd7: {  	v8 =	vld [tilespmem:s2+$0xFFFFFFC0]  }
0xd8: {  	v9 =	vld.idx.msk [tilespmem:v0+s3+$0x0], $0xffff  }
0xd9: {  	v10 =	vld.idx.msk [tilespmem:v1+s3+$0x0], $0xffff  }
0xda: {  	v5 =	vld.idx.msk [tilespmem:v2+s3+$0x0], $0xffff  }
0xdb: {  	v3 =	vld.idx.msk [tilespmem:v3+s3+$0x0], $0xffff  }
0xdc: {  	v0 =	vld.idx.msk [tilespmem:v4+s3+$0x0], $0xffff  }
0xdd: {  	s30 =	simm.s32 $0x140C0;
	v1 =	vld.idx.msk [tilespmem:v6+s3+$0x0], $0xffff  }
0xde: {  	v2 =	vld.idx.msk [tilespmem:v7+s3+$0x0], $0xffff;
	[tilespmem:s30+$0x30] =	vst v9  }
0xdf: {  	s31 =	simm.s32 $0x0;
	s2 =	simm.s32 $0x5140;
	v4 =	vld.idx.msk [tilespmem:v8+s3+$0x0], $0xffff;
	[tilespmem:s30+$0xFFFFFFD0] =	vst v10  }
.LBB2_10:
0xe0: {  	v6 =	vld [tilespmem:s2+$0x30];
	s31 =	sadd.s32 $0x80, s31;
	[tilespmem:s30+$0xFFFFFFE0] =	vst v5  }
0xe1: {  	v5 =	vld [tilespmem:s2+$0xFFFFFFD0];
	p0 =	slt.u32 s31, $0x4F80;
	[tilespmem:s30+$0xFFFFFFF0] =	vst v3  }
0xe2: {  	v3 =	vld [tilespmem:s2+$0xFFFFFFE0];
	[tilespmem:s30+$0x0] =	vst v0  }
0xe3: {  	v0 =	vld [tilespmem:s2+$0xFFFFFFF0];
	[tilespmem:s30+$0x10] =	vst v1  }
0xe4: {  	v1 =	vld [tilespmem:s2+$0x0];
	[tilespmem:s30+$0x20] =	vst v2  }
0xe5: {  	v2 =	vld [tilespmem:s2+$0x10];
	[tilespmem:s30+$0xFFFFFFC0] =	vst v4  }
0xe6: {  	v4 =	vld [tilespmem:s2+$0x20]  }
0xe7: {  	v7 =	vld [tilespmem:s2+$0xFFFFFFC0]  }
0xe8: {  	v6 =	vld.idx.msk [tilespmem:v6+s3+$0x0], $0xffff  }
0xe9: {  	v8 =	vld.idx.msk [tilespmem:v5+s3+$0x0], $0xffff  }
0xea: {  	v5 =	vld.idx.msk [tilespmem:v3+s3+$0x0], $0xffff  }
.Ltmp4:
0xeb: {  	v3 =	vld.idx.msk [tilespmem:v0+s3+$0x0], $0xffff;
	(pc) =	sbr.rel @p0 .LBB2_10-.Ltmp4, $4  }
0xec: {  	v0 =	vld.idx.msk [tilespmem:v1+s3+$0x0], $0xffff  }
0xed: {  	s30 =	sadd.s32 $0x80, s30;
	v1 =	vld.idx.msk [tilespmem:v2+s3+$0x0], $0xffff  }
0xee: {  	v2 =	vld.idx.msk [tilespmem:v4+s3+$0x0], $0xffff;
	[tilespmem:s30+$0x30] =	vst v6  }
0xef: {  	s2 =	sadd.s32 $0x80, s2;
	v4 =	vld.idx.msk [tilespmem:v7+s3+$0x0], $0xffff;
	[tilespmem:s30+$0xFFFFFFD0] =	vst v8  }
0xf0: {  	[tilespmem:s30+$0xFFFFFFE0] =	vst v5  }
0xf1: {  	[tilespmem:s30+$0xFFFFFFF0] =	vst v3  }
0xf2: {  	[tilespmem:s30+$0x0] =	vst v0  }
0xf3: {  	[tilespmem:s30+$0x10] =	vst v1  }
0xf4: {  	[tilespmem:s30+$0x20] =	vst v2  }
0xf5: {  	[tilespmem:s30+$0xFFFFFFC0] =	vst v4  }
0xf6: {  	[hbm4b:s13+s3] =	stream.linear.scatter [tilespmem:s22], [sflag:$0x5], $0x5000, $0x38;
	[tilespmem:$0x1E080] =	vst v63  }
0xf7: {  	_ =	swait.ge [sflag:s28], $0x5000  }
0xf8: {  	[sflag:s28] =	ssyncset.done $0x0  }
0xf9: {  	s29 =	sadd.s32 $0x1, s29;
	[sflag:s28] =	ssyncadd.s32 $0xFFFFB000  }
0xfa: {  	p0 =	sne.s32 s29, s14;
	_ =	swait.ge [sflag:s25], $0x5000  }
.Ltmp5:
0xfb: {  	[sflag:s25] =	ssyncset.done $0x0;
	(pc) =	sbr.rel @p0 .LBB2_1-.Ltmp5, $4  }
0xfc: {  	[sflag:s25] =	ssyncadd.s32 $0xFFFFB000  }
0xfd: {  	_ =	swait.ge [sflag:s26], $0x5000  }
0xfe: {  	[sflag:s26] =	ssyncset.done $0x0  }
0xff: {  	[sflag:s26] =	ssyncadd.s32 $0xFFFFB000  }
0x100: {  	_ =	sfence.sel $0x180000  }
0x101: {  	[bflag:$0x0] =	sbarrier.arrive $0xFFFF  }
0x102: {  	_ =	strace $0x90000047  }
0x103: {  	[bflag:$0x2] =	sbarrier.arrive $0xFFFF  }
0x104: {  	p0 =	sne.s32 s0, $0x0;
	s0 =	rddreg [dreg:$0x3]  }
0x105: {  	s0 =	sadd.s32 @!p0 $0x100000, s0  }
0x106: {  	[sflag:s0] =	ssyncadd.tile.s32 @!p0 $0x1;
	_ =	shalt  }
.Lfunc_end2:
_tile_overlayer_lowered:
.L_overlay_start_2:
0x107: {  	(tag) =	ssettag $0x2  }
0x108: {  	s0 =	rddreg [dreg:$0x0];
	s2 =	stileid.u32  }
0x109: {  	s1 =	rddreg [dreg:$0x1];
	p0 =	sne.s32 s2, $0x0  }
0x10a: {  	s3 =	rddreg [dreg:$0x2];
	[bflag:$0x3] =	sbarrier.arrive $0xFFFF;
	s2 =	simm.s32 @!p0 $0x1C07  }
0x10b: {  	[timem:s3], [sflag:s2] =	dma.local @!p0 [hbm:s0], s1  }
0x10c: {  	s0 =	simm.s32 @!p0 $0x7  }
0x10d: {  	_ =	swait.ge @!p0 [sflag:s0], s1  }
0x10e: {  	s1 =	ssub.s32 @!p0 $0x0, s1;
	[sflag:s0] =	ssyncset.done @!p0 $0x0  }
0x10f: {  	[sflag:s0] =	ssyncadd.s32 @!p0 s1  }
0x110: {  	[bflag:$0x3] =	sbarrier.arrive $0xFFFF  }
0x111: {  	_ =	shalt  }

</sc_bundles>
